<compile_context>
chip_gen: v7x
topology: tpu7x:2x2x1
jax: 0.10.2.dev20260603
libtpu: 0.0.44.dev20260713+nightly
codegen_flags: <defaults>
</compile_context>

<pallas_src>
import functools

import jax
import jax.numpy as jnp
from jax import lax
from jax.experimental import pallas as pl
from jax.experimental.pallas import tpu as pltpu
from jax.experimental.pallas import tpu_sc as plsc
from jax._src.pallas import mpmd as plmpmd

SEQ = 4096
D = 1024
NC = 2
NS = 16
ROWS_PER_C = SEQ // NC

TEC_ROWS_PER_C = 1152
TEC_ROWS_PER_W = TEC_ROWS_PER_C // NS
TEC_CHUNKS = (8, 32, 32)
TEC_CHMAX = max(TEC_CHUNKS)
TEC_NCHUNK = len(TEC_CHUNKS)
TEC_OFFS = [sum(TEC_CHUNKS[:i]) for i in range(TEC_NCHUNK)]
TEC_NBUF = 3

SCS_ROWS_PER_C = ROWS_PER_C - TEC_ROWS_PER_C
SCS_CH = 128
SCS_NCHUNK = SCS_ROWS_PER_C // SCS_CH
SCS_NBUF = 4

_vmesh = plsc.VectorSubcoreMesh(core_axis_name="c", subcore_axis_name="s")
_smesh = plsc.ScalarSubcoreMesh(axis_name="c", num_cores=NC)

_N_TEC_SCRATCH = TEC_NBUF + 2 * TEC_NBUF


def _tec_fn(enc_hbm, out_hbm, *scratch):
    scratch = scratch[:_N_TEC_SCRATCH]
    bufs = scratch[:TEC_NBUF]
    in_sems = scratch[TEC_NBUF : 2 * TEC_NBUF]
    out_sems = scratch[2 * TEC_NBUF :]
    c = lax.axis_index("c")
    s = lax.axis_index("s")
    base = c * ROWS_PER_C + s * TEC_ROWS_PER_W

    in_copies = [None] * TEC_NCHUNK
    out_copies = [None] * TEC_NCHUNK

    def _scatter(i):
        b = i % TEC_NBUF
        in_copies[i].wait()
        out_copies[i] = pltpu.async_copy(
            bufs[b].at[pl.ds(0, TEC_CHUNKS[i]), :],
            out_hbm.at[0, pl.ds(base + TEC_OFFS[i], TEC_CHUNKS[i]), :],
            out_sems[b],
        )

    for i in range(TEC_NCHUNK):
        b = i % TEC_NBUF
        if i >= TEC_NBUF:
            out_copies[i - TEC_NBUF].wait()
        in_copies[i] = pltpu.async_copy(
            enc_hbm.at[pl.ds(base + TEC_OFFS[i], TEC_CHUNKS[i]), :],
            bufs[b].at[pl.ds(0, TEC_CHUNKS[i]), :],
            in_sems[b],
        )
        if i >= 1:
            _scatter(i - 1)
    _scatter(TEC_NCHUNK - 1)
    for i in range(max(0, TEC_NCHUNK - TEC_NBUF), TEC_NCHUNK):
        out_copies[i].wait()


def _scs_fn(enc_hbm, out_hbm, *scratch):
    scratch = scratch[_N_TEC_SCRATCH:]
    bufs = scratch[:SCS_NBUF]
    in_sems = scratch[SCS_NBUF : 2 * SCS_NBUF]
    out_sems = scratch[2 * SCS_NBUF :]
    base = lax.axis_index("c") * ROWS_PER_C + TEC_ROWS_PER_C

    in_copies = [None] * SCS_NCHUNK
    out_copies = [None] * SCS_NCHUNK

    def _scatter(i):
        b = i % SCS_NBUF
        in_copies[i].wait()
        out_copies[i] = pltpu.async_copy(
            bufs[b],
            out_hbm.at[0, pl.ds(base + i * SCS_CH, SCS_CH), :],
            out_sems[b],
        )

    for i in range(SCS_NCHUNK):
        b = i % SCS_NBUF
        if i >= SCS_NBUF:
            out_copies[i - SCS_NBUF].wait()
        in_copies[i] = pltpu.async_copy(
            enc_hbm.at[pl.ds(base + i * SCS_CH, SCS_CH), :], bufs[b], in_sems[b]
        )
        if i >= 1:
            _scatter(i - 1)
    _scatter(SCS_NCHUNK - 1)
    for i in range(max(0, SCS_NCHUNK - SCS_NBUF), SCS_NCHUNK):
        out_copies[i].wait()


_slice_copy = plmpmd.mpmd_map(
    [(_smesh, _scs_fn), (_vmesh, _tec_fn)],
    out_types=jax.ShapeDtypeStruct((1, SEQ, D), jnp.float32),
    scratch_types=(
        [(pltpu.VMEM @ _vmesh)((TEC_CHMAX, D), jnp.float32)] * TEC_NBUF
        + [pltpu.SemaphoreType.DMA @ _vmesh] * (2 * TEC_NBUF)
        + [pltpu.VMEM_SHARED((SCS_CH, D), jnp.float32)] * SCS_NBUF
        + [pltpu.SemaphoreType.DMA @ _smesh] * (2 * SCS_NBUF)
    ),
)


def kernel(x, encoding):
    del x
    return _slice_copy(encoding)

# --- scband reference (transcript-rebuilt; emitter-appended) ---
"""Pipeline reference for scband-positional-embedding-learnable-10926396801537 (READ-ONLY COPY).

The authoritative reference and input builder live on the scoring server;
editing this copy changes nothing except your own understanding.
"""

import jax, jax.numpy as jnp
import numpy as np

MAXLEN = 8192
D_MODEL = 1024

def _make_encoding():
    pos = jnp.arange(MAXLEN, dtype=jnp.float32)[:, None]
    _2i = jnp.arange(0, D_MODEL, 2, dtype=jnp.float32)
    angle = pos / (1000.0 ** (_2i / D_MODEL))
    pe = jnp.zeros((MAXLEN, D_MODEL), dtype=jnp.float32)
    pe = pe.at[:, 0::2].set(jnp.sin(angle))
    pe = pe.at[:, 1::2].set(jnp.cos(angle))
    return pe

def setup_inputs(seed: int = 0):
    key = jax.random.key(seed)
    x = jax.random.normal(key, (2, 4096, 1024), dtype=jnp.float32)
    encoding = _make_encoding()
    return {"x": x, "encoding": encoding}

def reference(x, encoding):
    seq_len = x.shape[1]
    return encoding[:seq_len, :][None, :, :]

if __name__ == "__main__":
    import jax
    _d = setup_inputs()
    print(jax.jit(kernel)(*tuple(_d.values())))

</pallas_src>

<mosaic_0001>
#map = affine_map<(d0) -> (0, 0)>
#map1 = affine_map<(d0) -> (0, 0, 0)>
#map2 = affine_map<(d0, d1) -> (0, 0)>
#map3 = affine_map<(d0, d1) -> (0, 0, 0)>
module attributes {stable_mosaic.version = 14 : i64} {
  func.func @_scs_fn(%arg0: i32, %arg1: memref<8192x1024xf32, #tpu.memory_space<hbm>>, %arg2: memref<1x4096x1024xf32, #tpu.memory_space<hbm>>, %arg3: memref<32x1024xf32, #tpu.memory_space<vmem, sc_vector_subcore>>, %arg4: memref<32x1024xf32, #tpu.memory_space<vmem, sc_vector_subcore>>, %arg5: memref<32x1024xf32, #tpu.memory_space<vmem, sc_vector_subcore>>, %arg6: memref<!tpu.dma_semaphore, #tpu.memory_space<semaphore_mem, sc_vector_subcore>>, %arg7: memref<!tpu.dma_semaphore, #tpu.memory_space<semaphore_mem, sc_vector_subcore>>, %arg8: memref<!tpu.dma_semaphore, #tpu.memory_space<semaphore_mem, sc_vector_subcore>>, %arg9: memref<!tpu.dma_semaphore, #tpu.memory_space<semaphore_mem, sc_vector_subcore>>, %arg10: memref<!tpu.dma_semaphore, #tpu.memory_space<semaphore_mem, sc_vector_subcore>>, %arg11: memref<!tpu.dma_semaphore, #tpu.memory_space<semaphore_mem, sc_vector_subcore>>, %arg12: memref<128x1024xf32, #tpu.memory_space<vmem_shared>>, %arg13: memref<128x1024xf32, #tpu.memory_space<vmem_shared>>, %arg14: memref<128x1024xf32, #tpu.memory_space<vmem_shared>>, %arg15: memref<128x1024xf32, #tpu.memory_space<vmem_shared>>, %arg16: memref<!tpu.dma_semaphore, #tpu.memory_space<semaphore_mem>>, %arg17: memref<!tpu.dma_semaphore, #tpu.memory_space<semaphore_mem>>, %arg18: memref<!tpu.dma_semaphore, #tpu.memory_space<semaphore_mem>>, %arg19: memref<!tpu.dma_semaphore, #tpu.memory_space<semaphore_mem>>, %arg20: memref<!tpu.dma_semaphore, #tpu.memory_space<semaphore_mem>>, %arg21: memref<!tpu.dma_semaphore, #tpu.memory_space<semaphore_mem>>, %arg22: memref<!tpu.dma_semaphore, #tpu.memory_space<semaphore_mem>>, %arg23: memref<!tpu.dma_semaphore, #tpu.memory_space<semaphore_mem>>) attributes {dimension_semantics = [#tpu.dimension_semantics<core_parallel>], iteration_bounds = array<i64: 2>, scalar_prefetch = 0 : i64, scratch_operands = 21 : i64, tpu.core_type = #tpu.core_type<sc_scalar_subcore>, window_params = [{transform_indices = #map}, {transform_indices = #map1}]} {
    %mul3A = arith.constant 2048 : i32
    %mul3A_0 = arith.muli %arg0, %mul3A : i32
    %add3A = arith.constant 1152 : i32
    %add3A_1 = arith.addi %mul3A_0, %add3A : i32
    %add3A_2 = arith.constant 0 : i32
    %add3A_3 = arith.addi %add3A_1, %add3A_2 : i32
    %dma_start3A = arith.constant 0 : i32
    %dma_start3A_4 = tpu.memref_slice %arg1[%add3A_3, %dma_start3A] : memref<8192x1024xf32, #tpu.memory_space<hbm>> -> memref<128x1024xf32, #tpu.memory_space<hbm>>
    tpu.enqueue_dma source(%dma_start3A_4 : memref<128x1024xf32, #tpu.memory_space<hbm>>) target(%arg12 : memref<128x1024xf32, #tpu.memory_space<vmem_shared>>) target_semaphore(%arg16 : memref<!tpu.dma_semaphore, #tpu.memory_space<semaphore_mem>>)
    %add3A_5 = arith.constant 128 : i32
    %add3A_6 = arith.addi %add3A_1, %add3A_5 : i32
    %dma_start3A_7 = arith.constant 0 : i32
    %dma_start3A_8 = tpu.memref_slice %arg1[%add3A_6, %dma_start3A_7] : memref<8192x1024xf32, #tpu.memory_space<hbm>> -> memref<128x1024xf32, #tpu.memory_space<hbm>>
    tpu.enqueue_dma source(%dma_start3A_8 : memref<128x1024xf32, #tpu.memory_space<hbm>>) target(%arg13 : memref<128x1024xf32, #tpu.memory_space<vmem_shared>>) target_semaphore(%arg17 : memref<!tpu.dma_semaphore, #tpu.memory_space<semaphore_mem>>)
    %dma_wait3A = arith.constant 0 : i32
    %dma_wait3A_9 = tpu.memref_slice %arg1[%add3A_3, %dma_wait3A] : memref<8192x1024xf32, #tpu.memory_space<hbm>> -> memref<128x1024xf32, #tpu.memory_space<hbm>>
    tpu.wait_dma2 semaphore(%arg16 : memref<!tpu.dma_semaphore, #tpu.memory_space<semaphore_mem>>) src(%dma_wait3A_9 : memref<128x1024xf32, #tpu.memory_space<hbm>>) dst(%arg12 : memref<128x1024xf32, #tpu.memory_space<vmem_shared>>)
    %add3A_10 = arith.constant 0 : i32
    %add3A_11 = arith.addi %add3A_1, %add3A_10 : i32
    %dma_start3A_12 = arith.constant 0 : i32
    %dma_start3A_13 = arith.constant 0 : i32
    %dma_start3A_14 = tpu.memref_slice %arg2[%dma_start3A_12, %add3A_11, %dma_start3A_13] : memref<1x4096x1024xf32, #tpu.memory_space<hbm>> -> memref<1x128x1024xf32, #tpu.memory_space<hbm>>
    %dma_start3A_15 = tpu.memref_squeeze %dma_start3A_14 : memref<1x128x1024xf32, #tpu.memory_space<hbm>> -> memref<128x1024xf32, #tpu.memory_space<hbm>>
    tpu.enqueue_dma source(%arg12 : memref<128x1024xf32, #tpu.memory_space<vmem_shared>>) target(%dma_start3A_15 : memref<128x1024xf32, #tpu.memory_space<hbm>>) target_semaphore(%arg20 : memref<!tpu.dma_semaphore, #tpu.memory_space<semaphore_mem>>)
    %add3A_16 = arith.constant 256 : i32
    %add3A_17 = arith.addi %add3A_1, %add3A_16 : i32
    %dma_start3A_18 = arith.constant 0 : i32
    %dma_start3A_19 = tpu.memref_slice %arg1[%add3A_17, %dma_start3A_18] : memref<8192x1024xf32, #tpu.memory_space<hbm>> -> memref<128x1024xf32, #tpu.memory_space<hbm>>
    tpu.enqueue_dma source(%dma_start3A_19 : memref<128x1024xf32, #tpu.memory_space<hbm>>) target(%arg14 : memref<128x1024xf32, #tpu.memory_space<vmem_shared>>) target_semaphore(%arg18 : memref<!tpu.dma_semaphore, #tpu.memory_space<semaphore_mem>>)
    %dma_wait3A_20 = arith.constant 0 : i32
    %dma_wait3A_21 = tpu.memref_slice %arg1[%add3A_6, %dma_wait3A_20] : memref<8192x1024xf32, #tpu.memory_space<hbm>> -> memref<128x1024xf32, #tpu.memory_space<hbm>>
    tpu.wait_dma2 semaphore(%arg17 : memref<!tpu.dma_semaphore, #tpu.memory_space<semaphore_mem>>) src(%dma_wait3A_21 : memref<128x1024xf32, #tpu.memory_space<hbm>>) dst(%arg13 : memref<128x1024xf32, #tpu.memory_space<vmem_shared>>)
    %add3A_22 = arith.constant 128 : i32
    %add3A_23 = arith.addi %add3A_1, %add3A_22 : i32
    %dma_start3A_24 = arith.constant 0 : i32
    %dma_start3A_25 = arith.constant 0 : i32
    %dma_start3A_26 = tpu.memref_slice %arg2[%dma_start3A_24, %add3A_23, %dma_start3A_25] : memref<1x4096x1024xf32, #tpu.memory_space<hbm>> -> memref<1x128x1024xf32, #tpu.memory_space<hbm>>
    %dma_start3A_27 = tpu.memref_squeeze %dma_start3A_26 : memref<1x128x1024xf32, #tpu.memory_space<hbm>> -> memref<128x1024xf32, #tpu.memory_space<hbm>>
    tpu.enqueue_dma source(%arg13 : memref<128x1024xf32, #tpu.memory_space<vmem_shared>>) target(%dma_start3A_27 : memref<128x1024xf32, #tpu.memory_space<hbm>>) target_semaphore(%arg21 : memref<!tpu.dma_semaphore, #tpu.memory_space<semaphore_mem>>)
    %add3A_28 = arith.constant 384 : i32
    %add3A_29 = arith.addi %add3A_1, %add3A_28 : i32
    %dma_start3A_30 = arith.constant 0 : i32
    %dma_start3A_31 = tpu.memref_slice %arg1[%add3A_29, %dma_start3A_30] : memref<8192x1024xf32, #tpu.memory_space<hbm>> -> memref<128x1024xf32, #tpu.memory_space<hbm>>
    tpu.enqueue_dma source(%dma_start3A_31 : memref<128x1024xf32, #tpu.memory_space<hbm>>) target(%arg15 : memref<128x1024xf32, #tpu.memory_space<vmem_shared>>) target_semaphore(%arg19 : memref<!tpu.dma_semaphore, #tpu.memory_space<semaphore_mem>>)
    %dma_wait3A_32 = arith.constant 0 : i32
    %dma_wait3A_33 = tpu.memref_slice %arg1[%add3A_17, %dma_wait3A_32] : memref<8192x1024xf32, #tpu.memory_space<hbm>> -> memref<128x1024xf32, #tpu.memory_space<hbm>>
    tpu.wait_dma2 semaphore(%arg18 : memref<!tpu.dma_semaphore, #tpu.memory_space<semaphore_mem>>) src(%dma_wait3A_33 : memref<128x1024xf32, #tpu.memory_space<hbm>>) dst(%arg14 : memref<128x1024xf32, #tpu.memory_space<vmem_shared>>)
    %add3A_34 = arith.constant 256 : i32
    %add3A_35 = arith.addi %add3A_1, %add3A_34 : i32
    %dma_start3A_36 = arith.constant 0 : i32
    %dma_start3A_37 = arith.constant 0 : i32
    %dma_start3A_38 = tpu.memref_slice %arg2[%dma_start3A_36, %add3A_35, %dma_start3A_37] : memref<1x4096x1024xf32, #tpu.memory_space<hbm>> -> memref<1x128x1024xf32, #tpu.memory_space<hbm>>
    %dma_start3A_39 = tpu.memref_squeeze %dma_start3A_38 : memref<1x128x1024xf32, #tpu.memory_space<hbm>> -> memref<128x1024xf32, #tpu.memory_space<hbm>>
    tpu.enqueue_dma source(%arg14 : memref<128x1024xf32, #tpu.memory_space<vmem_shared>>) target(%dma_start3A_39 : memref<128x1024xf32, #tpu.memory_space<hbm>>) target_semaphore(%arg22 : memref<!tpu.dma_semaphore, #tpu.memory_space<semaphore_mem>>)
    %dma_wait3A_40 = arith.constant 0 : i32
    %dma_wait3A_41 = arith.constant 0 : i32
    %dma_wait3A_42 = tpu.memref_slice %arg2[%dma_wait3A_40, %add3A_11, %dma_wait3A_41] : memref<1x4096x1024xf32, #tpu.memory_space<hbm>> -> memref<1x128x1024xf32, #tpu.memory_space<hbm>>
    %dma_wait3A_43 = tpu.memref_squeeze %dma_wait3A_42 : memref<1x128x1024xf32, #tpu.memory_space<hbm>> -> memref<128x1024xf32, #tpu.memory_space<hbm>>
    tpu.wait_dma2 semaphore(%arg20 : memref<!tpu.dma_semaphore, #tpu.memory_space<semaphore_mem>>) src(%arg12 : memref<128x1024xf32, #tpu.memory_space<vmem_shared>>) dst(%dma_wait3A_43 : memref<128x1024xf32, #tpu.memory_space<hbm>>)
    %add3A_44 = arith.constant 512 : i32
    %add3A_45 = arith.addi %add3A_1, %add3A_44 : i32
    %dma_start3A_46 = arith.constant 0 : i32
    %dma_start3A_47 = tpu.memref_slice %arg1[%add3A_45, %dma_start3A_46] : memref<8192x1024xf32, #tpu.memory_space<hbm>> -> memref<128x1024xf32, #tpu.memory_space<hbm>>
    tpu.enqueue_dma source(%dma_start3A_47 : memref<128x1024xf32, #tpu.memory_space<hbm>>) target(%arg12 : memref<128x1024xf32, #tpu.memory_space<vmem_shared>>) target_semaphore(%arg16 : memref<!tpu.dma_semaphore, #tpu.memory_space<semaphore_mem>>)
    %dma_wait3A_48 = arith.constant 0 : i32
    %dma_wait3A_49 = tpu.memref_slice %arg1[%add3A_29, %dma_wait3A_48] : memref<8192x1024xf32, #tpu.memory_space<hbm>> -> memref<128x1024xf32, #tpu.memory_space<hbm>>
    tpu.wait_dma2 semaphore(%arg19 : memref<!tpu.dma_semaphore, #tpu.memory_space<semaphore_mem>>) src(%dma_wait3A_49 : memref<128x1024xf32, #tpu.memory_space<hbm>>) dst(%arg15 : memref<128x1024xf32, #tpu.memory_space<vmem_shared>>)
    %add3A_50 = arith.constant 384 : i32
    %add3A_51 = arith.addi %add3A_1, %add3A_50 : i32
    %dma_start3A_52 = arith.constant 0 : i32
    %dma_start3A_53 = arith.constant 0 : i32
    %dma_start3A_54 = tpu.memref_slice %arg2[%dma_start3A_52, %add3A_51, %dma_start3A_53] : memref<1x4096x1024xf32, #tpu.memory_space<hbm>> -> memref<1x128x1024xf32, #tpu.memory_space<hbm>>
    %dma_start3A_55 = tpu.memref_squeeze %dma_start3A_54 : memref<1x128x1024xf32, #tpu.memory_space<hbm>> -> memref<128x1024xf32, #tpu.memory_space<hbm>>
    tpu.enqueue_dma source(%arg15 : memref<128x1024xf32, #tpu.memory_space<vmem_shared>>) target(%dma_start3A_55 : memref<128x1024xf32, #tpu.memory_space<hbm>>) target_semaphore(%arg23 : memref<!tpu.dma_semaphore, #tpu.memory_space<semaphore_mem>>)
    %dma_wait3A_56 = arith.constant 0 : i32
    %dma_wait3A_57 = arith.constant 0 : i32
    %dma_wait3A_58 = tpu.memref_slice %arg2[%dma_wait3A_56, %add3A_23, %dma_wait3A_57] : memref<1x4096x1024xf32, #tpu.memory_space<hbm>> -> memref<1x128x1024xf32, #tpu.memory_space<hbm>>
    %dma_wait3A_59 = tpu.memref_squeeze %dma_wait3A_58 : memref<1x128x1024xf32, #tpu.memory_space<hbm>> -> memref<128x1024xf32, #tpu.memory_space<hbm>>
    tpu.wait_dma2 semaphore(%arg21 : memref<!tpu.dma_semaphore, #tpu.memory_space<semaphore_mem>>) src(%arg13 : memref<128x1024xf32, #tpu.memory_space<vmem_shared>>) dst(%dma_wait3A_59 : memref<128x1024xf32, #tpu.memory_space<hbm>>)
    %add3A_60 = arith.constant 640 : i32
    %add3A_61 = arith.addi %add3A_1, %add3A_60 : i32
    %dma_start3A_62 = arith.constant 0 : i32
    %dma_start3A_63 = tpu.memref_slice %arg1[%add3A_61, %dma_start3A_62] : memref<8192x1024xf32, #tpu.memory_space<hbm>> -> memref<128x1024xf32, #tpu.memory_space<hbm>>
    tpu.enqueue_dma source(%dma_start3A_63 : memref<128x1024xf32, #tpu.memory_space<hbm>>) target(%arg13 : memref<128x1024xf32, #tpu.memory_space<vmem_shared>>) target_semaphore(%arg17 : memref<!tpu.dma_semaphore, #tpu.memory_space<semaphore_mem>>)
    %dma_wait3A_64 = arith.constant 0 : i32
    %dma_wait3A_65 = tpu.memref_slice %arg1[%add3A_45, %dma_wait3A_64] : memref<8192x1024xf32, #tpu.memory_space<hbm>> -> memref<128x1024xf32, #tpu.memory_space<hbm>>
    tpu.wait_dma2 semaphore(%arg16 : memref<!tpu.dma_semaphore, #tpu.memory_space<semaphore_mem>>) src(%dma_wait3A_65 : memref<128x1024xf32, #tpu.memory_space<hbm>>) dst(%arg12 : memref<128x1024xf32, #tpu.memory_space<vmem_shared>>)
    %add3A_66 = arith.constant 512 : i32
    %add3A_67 = arith.addi %add3A_1, %add3A_66 : i32
    %dma_start3A_68 = arith.constant 0 : i32
    %dma_start3A_69 = arith.constant 0 : i32
    %dma_start3A_70 = tpu.memref_slice %arg2[%dma_start3A_68, %add3A_67, %dma_start3A_69] : memref<1x4096x1024xf32, #tpu.memory_space<hbm>> -> memref<1x128x1024xf32, #tpu.memory_space<hbm>>
    %dma_start3A_71 = tpu.memref_squeeze %dma_start3A_70 : memref<1x128x1024xf32, #tpu.memory_space<hbm>> -> memref<128x1024xf32, #tpu.memory_space<hbm>>
    tpu.enqueue_dma source(%arg12 : memref<128x1024xf32, #tpu.memory_space<vmem_shared>>) target(%dma_start3A_71 : memref<128x1024xf32, #tpu.memory_space<hbm>>) target_semaphore(%arg20 : memref<!tpu.dma_semaphore, #tpu.memory_space<semaphore_mem>>)
    %dma_wait3A_72 = arith.constant 0 : i32
    %dma_wait3A_73 = arith.constant 0 : i32
    %dma_wait3A_74 = tpu.memref_slice %arg2[%dma_wait3A_72, %add3A_35, %dma_wait3A_73] : memref<1x4096x1024xf32, #tpu.memory_space<hbm>> -> memref<1x128x1024xf32, #tpu.memory_space<hbm>>
    %dma_wait3A_75 = tpu.memref_squeeze %dma_wait3A_74 : memref<1x128x1024xf32, #tpu.memory_space<hbm>> -> memref<128x1024xf32, #tpu.memory_space<hbm>>
    tpu.wait_dma2 semaphore(%arg22 : memref<!tpu.dma_semaphore, #tpu.memory_space<semaphore_mem>>) src(%arg14 : memref<128x1024xf32, #tpu.memory_space<vmem_shared>>) dst(%dma_wait3A_75 : memref<128x1024xf32, #tpu.memory_space<hbm>>)
    %add3A_76 = arith.constant 768 : i32
    %add3A_77 = arith.addi %add3A_1, %add3A_76 : i32
    %dma_start3A_78 = arith.constant 0 : i32
    %dma_start3A_79 = tpu.memref_slice %arg1[%add3A_77, %dma_start3A_78] : memref<8192x1024xf32, #tpu.memory_space<hbm>> -> memref<128x1024xf32, #tpu.memory_space<hbm>>
    tpu.enqueue_dma source(%dma_start3A_79 : memref<128x1024xf32, #tpu.memory_space<hbm>>) target(%arg14 : memref<128x1024xf32, #tpu.memory_space<vmem_shared>>) target_semaphore(%arg18 : memref<!tpu.dma_semaphore, #tpu.memory_space<semaphore_mem>>)
    %dma_wait3A_80 = arith.constant 0 : i32
    %dma_wait3A_81 = tpu.memref_slice %arg1[%add3A_61, %dma_wait3A_80] : memref<8192x1024xf32, #tpu.memory_space<hbm>> -> memref<128x1024xf32, #tpu.memory_space<hbm>>
    tpu.wait_dma2 semaphore(%arg17 : memref<!tpu.dma_semaphore, #tpu.memory_space<semaphore_mem>>) src(%dma_wait3A_81 : memref<128x1024xf32, #tpu.memory_space<hbm>>) dst(%arg13 : memref<128x1024xf32, #tpu.memory_space<vmem_shared>>)
    %add3A_82 = arith.constant 640 : i32
    %add3A_83 = arith.addi %add3A_1, %add3A_82 : i32
    %dma_start3A_84 = arith.constant 0 : i32
    %dma_start3A_85 = arith.constant 0 : i32
    %dma_start3A_86 = tpu.memref_slice %arg2[%dma_start3A_84, %add3A_83, %dma_start3A_85] : memref<1x4096x1024xf32, #tpu.memory_space<hbm>> -> memref<1x128x1024xf32, #tpu.memory_space<hbm>>
    %dma_start3A_87 = tpu.memref_squeeze %dma_start3A_86 : memref<1x128x1024xf32, #tpu.memory_space<hbm>> -> memref<128x1024xf32, #tpu.memory_space<hbm>>
    tpu.enqueue_dma source(%arg13 : memref<128x1024xf32, #tpu.memory_space<vmem_shared>>) target(%dma_start3A_87 : memref<128x1024xf32, #tpu.memory_space<hbm>>) target_semaphore(%arg21 : memref<!tpu.dma_semaphore, #tpu.memory_space<semaphore_mem>>)
    %dma_wait3A_88 = arith.constant 0 : i32
    %dma_wait3A_89 = tpu.memref_slice %arg1[%add3A_77, %dma_wait3A_88] : memref<8192x1024xf32, #tpu.memory_space<hbm>> -> memref<128x1024xf32, #tpu.memory_space<hbm>>
    tpu.wait_dma2 semaphore(%arg18 : memref<!tpu.dma_semaphore, #tpu.memory_space<semaphore_mem>>) src(%dma_wait3A_89 : memref<128x1024xf32, #tpu.memory_space<hbm>>) dst(%arg14 : memref<128x1024xf32, #tpu.memory_space<vmem_shared>>)
    %add3A_90 = arith.constant 768 : i32
    %add3A_91 = arith.addi %add3A_1, %add3A_90 : i32
    %dma_start3A_92 = arith.constant 0 : i32
    %dma_start3A_93 = arith.constant 0 : i32
    %dma_start3A_94 = tpu.memref_slice %arg2[%dma_start3A_92, %add3A_91, %dma_start3A_93] : memref<1x4096x1024xf32, #tpu.memory_space<hbm>> -> memref<1x128x1024xf32, #tpu.memory_space<hbm>>
    %dma_start3A_95 = tpu.memref_squeeze %dma_start3A_94 : memref<1x128x1024xf32, #tpu.memory_space<hbm>> -> memref<128x1024xf32, #tpu.memory_space<hbm>>
    tpu.enqueue_dma source(%arg14 : memref<128x1024xf32, #tpu.memory_space<vmem_shared>>) target(%dma_start3A_95 : memref<128x1024xf32, #tpu.memory_space<hbm>>) target_semaphore(%arg22 : memref<!tpu.dma_semaphore, #tpu.memory_space<semaphore_mem>>)
    %dma_wait3A_96 = arith.constant 0 : i32
    %dma_wait3A_97 = arith.constant 0 : i32
    %dma_wait3A_98 = tpu.memref_slice %arg2[%dma_wait3A_96, %add3A_51, %dma_wait3A_97] : memref<1x4096x1024xf32, #tpu.memory_space<hbm>> -> memref<1x128x1024xf32, #tpu.memory_space<hbm>>
    %dma_wait3A_99 = tpu.memref_squeeze %dma_wait3A_98 : memref<1x128x1024xf32, #tpu.memory_space<hbm>> -> memref<128x1024xf32, #tpu.memory_space<hbm>>
    tpu.wait_dma2 semaphore(%arg23 : memref<!tpu.dma_semaphore, #tpu.memory_space<semaphore_mem>>) src(%arg15 : memref<128x1024xf32, #tpu.memory_space<vmem_shared>>) dst(%dma_wait3A_99 : memref<128x1024xf32, #tpu.memory_space<hbm>>)
    %dma_wait3A_100 = arith.constant 0 : i32
    %dma_wait3A_101 = arith.constant 0 : i32
    %dma_wait3A_102 = tpu.memref_slice %arg2[%dma_wait3A_100, %add3A_67, %dma_wait3A_101] : memref<1x4096x1024xf32, #tpu.memory_space<hbm>> -> memref<1x128x1024xf32, #tpu.memory_space<hbm>>
    %dma_wait3A_103 = tpu.memref_squeeze %dma_wait3A_102 : memref<1x128x1024xf32, #tpu.memory_space<hbm>> -> memref<128x1024xf32, #tpu.memory_space<hbm>>
    tpu.wait_dma2 semaphore(%arg20 : memref<!tpu.dma_semaphore, #tpu.memory_space<semaphore_mem>>) src(%arg12 : memref<128x1024xf32, #tpu.memory_space<vmem_shared>>) dst(%dma_wait3A_103 : memref<128x1024xf32, #tpu.memory_space<hbm>>)
    %dma_wait3A_104 = arith.constant 0 : i32
    %dma_wait3A_105 = arith.constant 0 : i32
    %dma_wait3A_106 = tpu.memref_slice %arg2[%dma_wait3A_104, %add3A_83, %dma_wait3A_105] : memref<1x4096x1024xf32, #tpu.memory_space<hbm>> -> memref<1x128x1024xf32, #tpu.memory_space<hbm>>
    %dma_wait3A_107 = tpu.memref_squeeze %dma_wait3A_106 : memref<1x128x1024xf32, #tpu.memory_space<hbm>> -> memref<128x1024xf32, #tpu.memory_space<hbm>>
    tpu.wait_dma2 semaphore(%arg21 : memref<!tpu.dma_semaphore, #tpu.memory_space<semaphore_mem>>) src(%arg13 : memref<128x1024xf32, #tpu.memory_space<vmem_shared>>) dst(%dma_wait3A_107 : memref<128x1024xf32, #tpu.memory_space<hbm>>)
    %dma_wait3A_108 = arith.constant 0 : i32
    %dma_wait3A_109 = arith.constant 0 : i32
    %dma_wait3A_110 = tpu.memref_slice %arg2[%dma_wait3A_108, %add3A_91, %dma_wait3A_109] : memref<1x4096x1024xf32, #tpu.memory_space<hbm>> -> memref<1x128x1024xf32, #tpu.memory_space<hbm>>
    %dma_wait3A_111 = tpu.memref_squeeze %dma_wait3A_110 : memref<1x128x1024xf32, #tpu.memory_space<hbm>> -> memref<128x1024xf32, #tpu.memory_space<hbm>>
    tpu.wait_dma2 semaphore(%arg22 : memref<!tpu.dma_semaphore, #tpu.memory_space<semaphore_mem>>) src(%arg14 : memref<128x1024xf32, #tpu.memory_space<vmem_shared>>) dst(%dma_wait3A_111 : memref<128x1024xf32, #tpu.memory_space<hbm>>)
    return
  }
  func.func @_tec_fn(%arg0: i32, %arg1: i32, %arg2: memref<8192x1024xf32, #tpu.memory_space<hbm>>, %arg3: memref<1x4096x1024xf32, #tpu.memory_space<hbm>>, %arg4: memref<32x1024xf32, #tpu.memory_space<vmem>>, %arg5: memref<32x1024xf32, #tpu.memory_space<vmem>>, %arg6: memref<32x1024xf32, #tpu.memory_space<vmem>>, %arg7: memref<!tpu.dma_semaphore, #tpu.memory_space<semaphore_mem>>, %arg8: memref<!tpu.dma_semaphore, #tpu.memory_space<semaphore_mem>>, %arg9: memref<!tpu.dma_semaphore, #tpu.memory_space<semaphore_mem>>, %arg10: memref<!tpu.dma_semaphore, #tpu.memory_space<semaphore_mem>>, %arg11: memref<!tpu.dma_semaphore, #tpu.memory_space<semaphore_mem>>, %arg12: memref<!tpu.dma_semaphore, #tpu.memory_space<semaphore_mem>>, %arg13: memref<128x1024xf32, #tpu.memory_space<vmem_shared>>, %arg14: memref<128x1024xf32, #tpu.memory_space<vmem_shared>>, %arg15: memref<128x1024xf32, #tpu.memory_space<vmem_shared>>, %arg16: memref<128x1024xf32, #tpu.memory_space<vmem_shared>>, %arg17: memref<!tpu.dma_semaphore, #tpu.memory_space<semaphore_mem, sc_scalar_subcore>>, %arg18: memref<!tpu.dma_semaphore, #tpu.memory_space<semaphore_mem, sc_scalar_subcore>>, %arg19: memref<!tpu.dma_semaphore, #tpu.memory_space<semaphore_mem, sc_scalar_subcore>>, %arg20: memref<!tpu.dma_semaphore, #tpu.memory_space<semaphore_mem, sc_scalar_subcore>>, %arg21: memref<!tpu.dma_semaphore, #tpu.memory_space<semaphore_mem, sc_scalar_subcore>>, %arg22: memref<!tpu.dma_semaphore, #tpu.memory_space<semaphore_mem, sc_scalar_subcore>>, %arg23: memref<!tpu.dma_semaphore, #tpu.memory_space<semaphore_mem, sc_scalar_subcore>>, %arg24: memref<!tpu.dma_semaphore, #tpu.memory_space<semaphore_mem, sc_scalar_subcore>>) attributes {dimension_semantics = [#tpu.dimension_semantics<core_parallel>, #tpu.dimension_semantics<subcore_parallel>], iteration_bounds = array<i64: 2, 16>, scalar_prefetch = 0 : i64, scratch_operands = 21 : i64, tpu.core_type = #tpu.core_type<sc_vector_subcore>, window_params = [{transform_indices = #map2}, {transform_indices = #map3}]} {
    %mul3A = arith.constant 2048 : i32
    %mul3A_0 = arith.muli %arg0, %mul3A : i32
    %mul3A_1 = arith.constant 72 : i32
    %mul3A_2 = arith.muli %arg1, %mul3A_1 : i32
    %add3A = arith.addi %mul3A_0, %mul3A_2 : i32
    %add3A_3 = arith.constant 0 : i32
    %add3A_4 = arith.addi %add3A, %add3A_3 : i32
    %dma_start3A = arith.constant 0 : i32
    %dma_start3A_5 = arith.constant 0 : i32
    %dma_start3A_6 = tpu.memref_slice %arg4[%dma_start3A, %dma_start3A_5] : memref<32x1024xf32, #tpu.memory_space<vmem>> -> memref<8x1024xf32, #tpu.memory_space<vmem>>
    %dma_start3A_7 = arith.constant 0 : i32
    %dma_start3A_8 = tpu.memref_slice %arg2[%add3A_4, %dma_start3A_7] : memref<8192x1024xf32, #tpu.memory_space<hbm>> -> memref<8x1024xf32, #tpu.memory_space<hbm>>
    %dma_start3A_9 = arith.constant 0 : i32
    %dma_start3A_10 = arith.constant 0 : i32
    %dma_start3A_11 = tpu.memref_slice %arg4[%dma_start3A_9, %dma_start3A_10] : memref<32x1024xf32, #tpu.memory_space<vmem>> -> memref<8x1024xf32, #tpu.memory_space<vmem>>
    %dma_start3A_12 = arith.constant 0 : i32
    %dma_start3A_13 = tpu.memref_slice %arg2[%add3A_4, %dma_start3A_12] : memref<8192x1024xf32, #tpu.memory_space<hbm>> -> memref<8x1024xf32, #tpu.memory_space<hbm>>
    tpu.enqueue_dma source(%dma_start3A_13 : memref<8x1024xf32, #tpu.memory_space<hbm>>) target(%dma_start3A_11 : memref<8x1024xf32, #tpu.memory_space<vmem>>) target_semaphore(%arg7 : memref<!tpu.dma_semaphore, #tpu.memory_space<semaphore_mem>>)
    %add3A_14 = arith.constant 8 : i32
    %add3A_15 = arith.addi %add3A, %add3A_14 : i32
    %dma_start3A_16 = arith.constant 0 : i32
    %dma_start3A_17 = arith.constant 0 : i32
    %dma_start3A_18 = tpu.memref_slice %arg5[%dma_start3A_16, %dma_start3A_17] : memref<32x1024xf32, #tpu.memory_space<vmem>> -> memref<32x1024xf32, #tpu.memory_space<vmem>>
    %dma_start3A_19 = arith.constant 0 : i32
    %dma_start3A_20 = tpu.memref_slice %arg2[%add3A_15, %dma_start3A_19] : memref<8192x1024xf32, #tpu.memory_space<hbm>> -> memref<32x1024xf32, #tpu.memory_space<hbm>>
    %dma_start3A_21 = arith.constant 0 : i32
    %dma_start3A_22 = arith.constant 0 : i32
    %dma_start3A_23 = tpu.memref_slice %arg5[%dma_start3A_21, %dma_start3A_22] : memref<32x1024xf32, #tpu.memory_space<vmem>> -> memref<32x1024xf32, #tpu.memory_space<vmem>>
    %dma_start3A_24 = arith.constant 0 : i32
    %dma_start3A_25 = tpu.memref_slice %arg2[%add3A_15, %dma_start3A_24] : memref<8192x1024xf32, #tpu.memory_space<hbm>> -> memref<32x1024xf32, #tpu.memory_space<hbm>>
    tpu.enqueue_dma source(%dma_start3A_25 : memref<32x1024xf32, #tpu.memory_space<hbm>>) target(%dma_start3A_23 : memref<32x1024xf32, #tpu.memory_space<vmem>>) target_semaphore(%arg8 : memref<!tpu.dma_semaphore, #tpu.memory_space<semaphore_mem>>)
    %dma_wait3A = arith.constant 0 : i32
    %dma_wait3A_26 = arith.constant 0 : i32
    %dma_wait3A_27 = tpu.memref_slice %arg4[%dma_wait3A, %dma_wait3A_26] : memref<32x1024xf32, #tpu.memory_space<vmem>> -> memref<8x1024xf32, #tpu.memory_space<vmem>>
    %dma_wait3A_28 = arith.constant 0 : i32
    %dma_wait3A_29 = tpu.memref_slice %arg2[%add3A_4, %dma_wait3A_28] : memref<8192x1024xf32, #tpu.memory_space<hbm>> -> memref<8x1024xf32, #tpu.memory_space<hbm>>
    %dma_wait3A_30 = arith.constant 0 : i32
    %dma_wait3A_31 = arith.constant 0 : i32
    %dma_wait3A_32 = tpu.memref_slice %arg4[%dma_wait3A_30, %dma_wait3A_31] : memref<32x1024xf32, #tpu.memory_space<vmem>> -> memref<8x1024xf32, #tpu.memory_space<vmem>>
    %dma_wait3A_33 = arith.constant 0 : i32
    %dma_wait3A_34 = tpu.memref_slice %arg2[%add3A_4, %dma_wait3A_33] : memref<8192x1024xf32, #tpu.memory_space<hbm>> -> memref<8x1024xf32, #tpu.memory_space<hbm>>
    tpu.wait_dma2 semaphore(%arg7 : memref<!tpu.dma_semaphore, #tpu.memory_space<semaphore_mem>>) src(%dma_wait3A_34 : memref<8x1024xf32, #tpu.memory_space<hbm>>) dst(%dma_wait3A_32 : memref<8x1024xf32, #tpu.memory_space<vmem>>)
    %add3A_35 = arith.constant 0 : i32
    %add3A_36 = arith.addi %add3A, %add3A_35 : i32
    %dma_start3A_37 = arith.constant 0 : i32
    %dma_start3A_38 = arith.constant 0 : i32
    %dma_start3A_39 = arith.constant 0 : i32
    %dma_start3A_40 = tpu.memref_slice %arg4[%dma_start3A_38, %dma_start3A_39] : memref<32x1024xf32, #tpu.memory_space<vmem>> -> memref<8x1024xf32, #tpu.memory_space<vmem>>
    %dma_start3A_41 = arith.constant 0 : i32
    %dma_start3A_42 = tpu.memref_slice %arg3[%dma_start3A_37, %add3A_36, %dma_start3A_41] : memref<1x4096x1024xf32, #tpu.memory_space<hbm>> -> memref<1x8x1024xf32, #tpu.memory_space<hbm>>
    %dma_start3A_43 = tpu.memref_squeeze %dma_start3A_42 : memref<1x8x1024xf32, #tpu.memory_space<hbm>> -> memref<8x1024xf32, #tpu.memory_space<hbm>>
    %dma_start3A_44 = arith.constant 0 : i32
    %dma_start3A_45 = tpu.memref_slice %arg3[%dma_start3A_37, %add3A_36, %dma_start3A_44] : memref<1x4096x1024xf32, #tpu.memory_space<hbm>> -> memref<1x8x1024xf32, #tpu.memory_space<hbm>>
    %dma_start3A_46 = tpu.memref_squeeze %dma_start3A_45 : memref<1x8x1024xf32, #tpu.memory_space<hbm>> -> memref<8x1024xf32, #tpu.memory_space<hbm>>
    %dma_start3A_47 = arith.constant 0 : i32
    %dma_start3A_48 = arith.constant 0 : i32
    %dma_start3A_49 = tpu.memref_slice %arg4[%dma_start3A_47, %dma_start3A_48] : memref<32x1024xf32, #tpu.memory_space<vmem>> -> memref<8x1024xf32, #tpu.memory_space<vmem>>
    tpu.enqueue_dma source(%dma_start3A_49 : memref<8x1024xf32, #tpu.memory_space<vmem>>) target(%dma_start3A_46 : memref<8x1024xf32, #tpu.memory_space<hbm>>) target_semaphore(%arg10 : memref<!tpu.dma_semaphore, #tpu.memory_space<semaphore_mem>>)
    %add3A_50 = arith.constant 40 : i32
    %add3A_51 = arith.addi %add3A, %add3A_50 : i32
    %dma_start3A_52 = arith.constant 0 : i32
    %dma_start3A_53 = arith.constant 0 : i32
    %dma_start3A_54 = tpu.memref_slice %arg6[%dma_start3A_52, %dma_start3A_53] : memref<32x1024xf32, #tpu.memory_space<vmem>> -> memref<32x1024xf32, #tpu.memory_space<vmem>>
    %dma_start3A_55 = arith.constant 0 : i32
    %dma_start3A_56 = tpu.memref_slice %arg2[%add3A_51, %dma_start3A_55] : memref<8192x1024xf32, #tpu.memory_space<hbm>> -> memref<32x1024xf32, #tpu.memory_space<hbm>>
    %dma_start3A_57 = arith.constant 0 : i32
    %dma_start3A_58 = arith.constant 0 : i32
    %dma_start3A_59 = tpu.memref_slice %arg6[%dma_start3A_57, %dma_start3A_58] : memref<32x1024xf32, #tpu.memory_space<vmem>> -> memref<32x1024xf32, #tpu.memory_space<vmem>>
    %dma_start3A_60 = arith.constant 0 : i32
    %dma_start3A_61 = tpu.memref_slice %arg2[%add3A_51, %dma_start3A_60] : memref<8192x1024xf32, #tpu.memory_space<hbm>> -> memref<32x1024xf32, #tpu.memory_space<hbm>>
    tpu.enqueue_dma source(%dma_start3A_61 : memref<32x1024xf32, #tpu.memory_space<hbm>>) target(%dma_start3A_59 : memref<32x1024xf32, #tpu.memory_space<vmem>>) target_semaphore(%arg9 : memref<!tpu.dma_semaphore, #tpu.memory_space<semaphore_mem>>)
    %dma_wait3A_62 = arith.constant 0 : i32
    %dma_wait3A_63 = arith.constant 0 : i32
    %dma_wait3A_64 = tpu.memref_slice %arg5[%dma_wait3A_62, %dma_wait3A_63] : memref<32x1024xf32, #tpu.memory_space<vmem>> -> memref<32x1024xf32, #tpu.memory_space<vmem>>
    %dma_wait3A_65 = arith.constant 0 : i32
    %dma_wait3A_66 = tpu.memref_slice %arg2[%add3A_15, %dma_wait3A_65] : memref<8192x1024xf32, #tpu.memory_space<hbm>> -> memref<32x1024xf32, #tpu.memory_space<hbm>>
    %dma_wait3A_67 = arith.constant 0 : i32
    %dma_wait3A_68 = arith.constant 0 : i32
    %dma_wait3A_69 = tpu.memref_slice %arg5[%dma_wait3A_67, %dma_wait3A_68] : memref<32x1024xf32, #tpu.memory_space<vmem>> -> memref<32x1024xf32, #tpu.memory_space<vmem>>
    %dma_wait3A_70 = arith.constant 0 : i32
    %dma_wait3A_71 = tpu.memref_slice %arg2[%add3A_15, %dma_wait3A_70] : memref<8192x1024xf32, #tpu.memory_space<hbm>> -> memref<32x1024xf32, #tpu.memory_space<hbm>>
    tpu.wait_dma2 semaphore(%arg8 : memref<!tpu.dma_semaphore, #tpu.memory_space<semaphore_mem>>) src(%dma_wait3A_71 : memref<32x1024xf32, #tpu.memory_space<hbm>>) dst(%dma_wait3A_69 : memref<32x1024xf32, #tpu.memory_space<vmem>>)
    %add3A_72 = arith.constant 8 : i32
    %add3A_73 = arith.addi %add3A, %add3A_72 : i32
    %dma_start3A_74 = arith.constant 0 : i32
    %dma_start3A_75 = arith.constant 0 : i32
    %dma_start3A_76 = arith.constant 0 : i32
    %dma_start3A_77 = tpu.memref_slice %arg5[%dma_start3A_75, %dma_start3A_76] : memref<32x1024xf32, #tpu.memory_space<vmem>> -> memref<32x1024xf32, #tpu.memory_space<vmem>>
    %dma_start3A_78 = arith.constant 0 : i32
    %dma_start3A_79 = tpu.memref_slice %arg3[%dma_start3A_74, %add3A_73, %dma_start3A_78] : memref<1x4096x1024xf32, #tpu.memory_space<hbm>> -> memref<1x32x1024xf32, #tpu.memory_space<hbm>>
    %dma_start3A_80 = tpu.memref_squeeze %dma_start3A_79 : memref<1x32x1024xf32, #tpu.memory_space<hbm>> -> memref<32x1024xf32, #tpu.memory_space<hbm>>
    %dma_start3A_81 = arith.constant 0 : i32
    %dma_start3A_82 = tpu.memref_slice %arg3[%dma_start3A_74, %add3A_73, %dma_start3A_81] : memref<1x4096x1024xf32, #tpu.memory_space<hbm>> -> memref<1x32x1024xf32, #tpu.memory_space<hbm>>
    %dma_start3A_83 = tpu.memref_squeeze %dma_start3A_82 : memref<1x32x1024xf32, #tpu.memory_space<hbm>> -> memref<32x1024xf32, #tpu.memory_space<hbm>>
    %dma_start3A_84 = arith.constant 0 : i32
    %dma_start3A_85 = arith.constant 0 : i32
    %dma_start3A_86 = tpu.memref_slice %arg5[%dma_start3A_84, %dma_start3A_85] : memref<32x1024xf32, #tpu.memory_space<vmem>> -> memref<32x1024xf32, #tpu.memory_space<vmem>>
    tpu.enqueue_dma source(%dma_start3A_86 : memref<32x1024xf32, #tpu.memory_space<vmem>>) target(%dma_start3A_83 : memref<32x1024xf32, #tpu.memory_space<hbm>>) target_semaphore(%arg11 : memref<!tpu.dma_semaphore, #tpu.memory_space<semaphore_mem>>)
    %dma_wait3A_87 = arith.constant 0 : i32
    %dma_wait3A_88 = arith.constant 0 : i32
    %dma_wait3A_89 = tpu.memref_slice %arg6[%dma_wait3A_87, %dma_wait3A_88] : memref<32x1024xf32, #tpu.memory_space<vmem>> -> memref<32x1024xf32, #tpu.memory_space<vmem>>
    %dma_wait3A_90 = arith.constant 0 : i32
    %dma_wait3A_91 = tpu.memref_slice %arg2[%add3A_51, %dma_wait3A_90] : memref<8192x1024xf32, #tpu.memory_space<hbm>> -> memref<32x1024xf32, #tpu.memory_space<hbm>>
    %dma_wait3A_92 = arith.constant 0 : i32
    %dma_wait3A_93 = arith.constant 0 : i32
    %dma_wait3A_94 = tpu.memref_slice %arg6[%dma_wait3A_92, %dma_wait3A_93] : memref<32x1024xf32, #tpu.memory_space<vmem>> -> memref<32x1024xf32, #tpu.memory_space<vmem>>
    %dma_wait3A_95 = arith.constant 0 : i32
    %dma_wait3A_96 = tpu.memref_slice %arg2[%add3A_51, %dma_wait3A_95] : memref<8192x1024xf32, #tpu.memory_space<hbm>> -> memref<32x1024xf32, #tpu.memory_space<hbm>>
    tpu.wait_dma2 semaphore(%arg9 : memref<!tpu.dma_semaphore, #tpu.memory_space<semaphore_mem>>) src(%dma_wait3A_96 : memref<32x1024xf32, #tpu.memory_space<hbm>>) dst(%dma_wait3A_94 : memref<32x1024xf32, #tpu.memory_space<vmem>>)
    %add3A_97 = arith.constant 40 : i32
    %add3A_98 = arith.addi %add3A, %add3A_97 : i32
    %dma_start3A_99 = arith.constant 0 : i32
    %dma_start3A_100 = arith.constant 0 : i32
    %dma_start3A_101 = arith.constant 0 : i32
    %dma_start3A_102 = tpu.memref_slice %arg6[%dma_start3A_100, %dma_start3A_101] : memref<32x1024xf32, #tpu.memory_space<vmem>> -> memref<32x1024xf32, #tpu.memory_space<vmem>>
    %dma_start3A_103 = arith.constant 0 : i32
    %dma_start3A_104 = tpu.memref_slice %arg3[%dma_start3A_99, %add3A_98, %dma_start3A_103] : memref<1x4096x1024xf32, #tpu.memory_space<hbm>> -> memref<1x32x1024xf32, #tpu.memory_space<hbm>>
    %dma_start3A_105 = tpu.memref_squeeze %dma_start3A_104 : memref<1x32x1024xf32, #tpu.memory_space<hbm>> -> memref<32x1024xf32, #tpu.memory_space<hbm>>
    %dma_start3A_106 = arith.constant 0 : i32
    %dma_start3A_107 = tpu.memref_slice %arg3[%dma_start3A_99, %add3A_98, %dma_start3A_106] : memref<1x4096x1024xf32, #tpu.memory_space<hbm>> -> memref<1x32x1024xf32, #tpu.memory_space<hbm>>
    %dma_start3A_108 = tpu.memref_squeeze %dma_start3A_107 : memref<1x32x1024xf32, #tpu.memory_space<hbm>> -> memref<32x1024xf32, #tpu.memory_space<hbm>>
    %dma_start3A_109 = arith.constant 0 : i32
    %dma_start3A_110 = arith.constant 0 : i32
    %dma_start3A_111 = tpu.memref_slice %arg6[%dma_start3A_109, %dma_start3A_110] : memref<32x1024xf32, #tpu.memory_space<vmem>> -> memref<32x1024xf32, #tpu.memory_space<vmem>>
    tpu.enqueue_dma source(%dma_start3A_111 : memref<32x1024xf32, #tpu.memory_space<vmem>>) target(%dma_start3A_108 : memref<32x1024xf32, #tpu.memory_space<hbm>>) target_semaphore(%arg12 : memref<!tpu.dma_semaphore, #tpu.memory_space<semaphore_mem>>)
    %dma_wait3A_112 = arith.constant 0 : i32
    %dma_wait3A_113 = arith.constant 0 : i32
    %dma_wait3A_114 = arith.constant 0 : i32
    %dma_wait3A_115 = tpu.memref_slice %arg4[%dma_wait3A_113, %dma_wait3A_114] : memref<32x1024xf32, #tpu.memory_space<vmem>> -> memref<8x1024xf32, #tpu.memory_space<vmem>>
    %dma_wait3A_116 = arith.constant 0 : i32
    %dma_wait3A_117 = tpu.memref_slice %arg3[%dma_wait3A_112, %add3A_36, %dma_wait3A_116] : memref<1x4096x1024xf32, #tpu.memory_space<hbm>> -> memref<1x8x1024xf32, #tpu.memory_space<hbm>>
    %dma_wait3A_118 = tpu.memref_squeeze %dma_wait3A_117 : memref<1x8x1024xf32, #tpu.memory_space<hbm>> -> memref<8x1024xf32, #tpu.memory_space<hbm>>
    %dma_wait3A_119 = arith.constant 0 : i32
    %dma_wait3A_120 = tpu.memref_slice %arg3[%dma_wait3A_112, %add3A_36, %dma_wait3A_119] : memref<1x4096x1024xf32, #tpu.memory_space<hbm>> -> memref<1x8x1024xf32, #tpu.memory_space<hbm>>
    %dma_wait3A_121 = tpu.memref_squeeze %dma_wait3A_120 : memref<1x8x1024xf32, #tpu.memory_space<hbm>> -> memref<8x1024xf32, #tpu.memory_space<hbm>>
    %dma_wait3A_122 = arith.constant 0 : i32
    %dma_wait3A_123 = arith.constant 0 : i32
    %dma_wait3A_124 = tpu.memref_slice %arg4[%dma_wait3A_122, %dma_wait3A_123] : memref<32x1024xf32, #tpu.memory_space<vmem>> -> memref<8x1024xf32, #tpu.memory_space<vmem>>
    tpu.wait_dma2 semaphore(%arg10 : memref<!tpu.dma_semaphore, #tpu.memory_space<semaphore_mem>>) src(%dma_wait3A_124 : memref<8x1024xf32, #tpu.memory_space<vmem>>) dst(%dma_wait3A_121 : memref<8x1024xf32, #tpu.memory_space<hbm>>)
    %dma_wait3A_125 = arith.constant 0 : i32
    %dma_wait3A_126 = arith.constant 0 : i32
    %dma_wait3A_127 = arith.constant 0 : i32
    %dma_wait3A_128 = tpu.memref_slice %arg5[%dma_wait3A_126, %dma_wait3A_127] : memref<32x1024xf32, #tpu.memory_space<vmem>> -> memref<32x1024xf32, #tpu.memory_space<vmem>>
    %dma_wait3A_129 = arith.constant 0 : i32
    %dma_wait3A_130 = tpu.memref_slice %arg3[%dma_wait3A_125, %add3A_73, %dma_wait3A_129] : memref<1x4096x1024xf32, #tpu.memory_space<hbm>> -> memref<1x32x1024xf32, #tpu.memory_space<hbm>>
    %dma_wait3A_131 = tpu.memref_squeeze %dma_wait3A_130 : memref<1x32x1024xf32, #tpu.memory_space<hbm>> -> memref<32x1024xf32, #tpu.memory_space<hbm>>
    %dma_wait3A_132 = arith.constant 0 : i32
    %dma_wait3A_133 = tpu.memref_slice %arg3[%dma_wait3A_125, %add3A_73, %dma_wait3A_132] : memref<1x4096x1024xf32, #tpu.memory_space<hbm>> -> memref<1x32x1024xf32, #tpu.memory_space<hbm>>
    %dma_wait3A_134 = tpu.memref_squeeze %dma_wait3A_133 : memref<1x32x1024xf32, #tpu.memory_space<hbm>> -> memref<32x1024xf32, #tpu.memory_space<hbm>>
    %dma_wait3A_135 = arith.constant 0 : i32
    %dma_wait3A_136 = arith.constant 0 : i32
    %dma_wait3A_137 = tpu.memref_slice %arg5[%dma_wait3A_135, %dma_wait3A_136] : memref<32x1024xf32, #tpu.memory_space<vmem>> -> memref<32x1024xf32, #tpu.memory_space<vmem>>
    tpu.wait_dma2 semaphore(%arg11 : memref<!tpu.dma_semaphore, #tpu.memory_space<semaphore_mem>>) src(%dma_wait3A_137 : memref<32x1024xf32, #tpu.memory_space<vmem>>) dst(%dma_wait3A_134 : memref<32x1024xf32, #tpu.memory_space<hbm>>)
    %dma_wait3A_138 = arith.constant 0 : i32
    %dma_wait3A_139 = arith.constant 0 : i32
    %dma_wait3A_140 = arith.constant 0 : i32
    %dma_wait3A_141 = tpu.memref_slice %arg6[%dma_wait3A_139, %dma_wait3A_140] : memref<32x1024xf32, #tpu.memory_space<vmem>> -> memref<32x1024xf32, #tpu.memory_space<vmem>>
    %dma_wait3A_142 = arith.constant 0 : i32
    %dma_wait3A_143 = tpu.memref_slice %arg3[%dma_wait3A_138, %add3A_98, %dma_wait3A_142] : memref<1x4096x1024xf32, #tpu.memory_space<hbm>> -> memref<1x32x1024xf32, #tpu.memory_space<hbm>>
    %dma_wait3A_144 = tpu.memref_squeeze %dma_wait3A_143 : memref<1x32x1024xf32, #tpu.memory_space<hbm>> -> memref<32x1024xf32, #tpu.memory_space<hbm>>
    %dma_wait3A_145 = arith.constant 0 : i32
    %dma_wait3A_146 = tpu.memref_slice %arg3[%dma_wait3A_138, %add3A_98, %dma_wait3A_145] : memref<1x4096x1024xf32, #tpu.memory_space<hbm>> -> memref<1x32x1024xf32, #tpu.memory_space<hbm>>
    %dma_wait3A_147 = tpu.memref_squeeze %dma_wait3A_146 : memref<1x32x1024xf32, #tpu.memory_space<hbm>> -> memref<32x1024xf32, #tpu.memory_space<hbm>>
    %dma_wait3A_148 = arith.constant 0 : i32
    %dma_wait3A_149 = arith.constant 0 : i32
    %dma_wait3A_150 = tpu.memref_slice %arg6[%dma_wait3A_148, %dma_wait3A_149] : memref<32x1024xf32, #tpu.memory_space<vmem>> -> memref<32x1024xf32, #tpu.memory_space<vmem>>
    tpu.wait_dma2 semaphore(%arg12 : memref<!tpu.dma_semaphore, #tpu.memory_space<semaphore_mem>>) src(%dma_wait3A_150 : memref<32x1024xf32, #tpu.memory_space<vmem>>) dst(%dma_wait3A_147 : memref<32x1024xf32, #tpu.memory_space<hbm>>)
    return
  }
}

</mosaic_0001>

<sc_bundles>
// kernel: kernel.3.cloned.1.call-start
scs
__scs_entry_jumppad:
0x0: {  	(pc) =	sbr.rel $0x88, $3  }
0x1: {  	(tag) =	ssettag $0x0;
	lr =	simm.s32 $0x1  }
0x2: {  	[smem:$0x3FA0] =	sst lr;
	_ =	strace $0xD0000000  }
0x3: {  	_ = 	snop  }
0x4: {  	_ = 	snop  }
0x5: {  	_ = 	snop  }
0x6: {  	_ = 	snop  }
0x7: {  	_ = 	snop  }
__scs_overlays_trampoline_lowered:
0x8: {  	[smem:$0x3FAF] =	sst s0  }
0x9: {  	[smem:$0x3FB0] =	sst s1  }
0xa: {  	[smem:$0x3FB1] =	sst s2  }
0xb: {  	[smem:$0x3FB2] =	sst s3  }
0xc: {  	[smem:$0x3FB3] =	sst s4  }
0xd: {  	[smem:$0x3FB4] =	sst s5  }
0xe: {  	[smem:$0x3FB5] =	sst s6  }
0xf: {  	[smem:$0x3FB6] =	sst s7  }
0x10: {  	[smem:$0x3FB7] =	sst s8  }
0x11: {  	[smem:$0x3FB8] =	sst s9;
	s0 =	simm.s32 @!p0 $0x0  }
0x12: {  	s1 =	sld [smem:$0x3F9E];
	s0 =	simm.s32 @p0 $0x1  }
0x13: {  	[smem:$0x3FB9] =	sst s0;
	s0 =	simm.s32 @!p1 $0x0  }
0x14: {  	s2 =	sld [smem:$0x3F9D];
	s0 =	simm.s32 @p1 $0x1  }
0x15: {  	[smem:$0x3FBA] =	sst s0;
	s0 =	simm.s32 @!p2 $0x0  }
0x16: {  	s3 =	sld [smem:$0x3FDB];
	s0 =	simm.s32 @p2 $0x1  }
0x17: {  	s4 =	simm.s32 $0x1BF5;
	[smem:$0x3FBC] =	sst s0  }
0x18: {  	s0 =	sld [smem:$0x3F9F];
	_ =	swait.ge [sflag:s4], $0x0  }
0x19: {  	s7 =	sld [smem:$0x3FA0]  }
0x1a: {  	s8 =	sadd.s32 $0xFFFFE003, lr  }
0x1b: {  	s9 =	sadd.s32 $0xFFFFFEF7, lr;
	s5 =	simm.s32 $0xFFFFFFFF;
	p2 =	slt.u32 s8, $0xFFFFF086  }
0x1c: {  	p1 =	slt.u32 s9, $0xF7A;
	s5 =	simm.s32 @!p2 $0x0  }
0x1d: {  	s5 =	simm.s32 @p1 $0x1;
	p0 =	seq.s32 s7, s2  }
0x1e: {  	s7 =	smul.u32 @!p0 $0xF7A, s2;
	p2 =	seq.s32 @!p0 s5, $0x0  }
0x1f: {  	s9 =	smul.u32 $0xF7A, s1;
	s8 =	simm.s32 @!p0 $0x1BF5;
	p2 =	por !p2, p0  }
0x20: {  	[sflag:s8] =	ssyncset.s32 @!p0 $0xFFFFF086;
	s6 =	sadd.s32 @!p0 s3, s7;
	s7 =	simm.s32 @!p0 $0x108  }
0x21: {  	s3 =	sadd.s32 s3, s9;
	s6 =	sadd.s32 @!p0 $0x88, s6;
	s7 =	simm.s32 @p2 $0x1082  }
0x22: {  	[simem:s7], [sflag:s8] =	dma.local @!p0 [hbm:s6], $0xF7A  }
0x23: {  	s9 =	sor.u32 $0xD0000000, s2;
	s6 =	simm.s32 $0x108;
	_ =	swait.ge @!p0 [sflag:s8], $0x0  }
0x24: {  	s3 =	sadd.s32 $0x88, s3;
	s6 =	simm.s32 @!p1 $0x1082;
	[sflag:s4] =	ssyncset.s32 $0xFFFFF086  }
0x25: {  	[simem:s6], [sflag:s4] =	dma.local [hbm:s3], $0xF7A  }
0x26: {  	[smem:$0x3FA0] =	sst s1;
	(tag) =	ssettag s2;
	_ =	strace s9  }
0x27: {  	s1 =	sld [smem:$0x3FB0]  }
0x28: {  	s2 =	sld [smem:$0x3FB1]  }
0x29: {  	s4 =	sld [smem:$0x3FB3]  }
0x2a: {  	p0 =	seq.s32 s5, $0x0;
	s5 =	sld [smem:$0x3FB4]  }
0x2b: {  	s6 =	sld [smem:$0x3FB5]  }
0x2c: {  	s7 =	sld [smem:$0x3FB6]  }
0x2d: {  	s3 =	simm.s32 $0x108;
	s8 =	sld [smem:$0x3FB7]  }
0x2e: {  	s3 =	simm.s32 @!p0 $0x1082;
	s9 =	sld [smem:$0x3FB8]  }
0x2f: {  	lr =	sadd.s32 s0, s3;
	s0 =	sld [smem:$0x3FAF]  }
0x30: {  	s3 =	sld [smem:$0x3FB2]  }
0x31: {  	[smem:$0x3FBB] =	sst s10  }
0x32: {  	s10 =	sld [smem:$0x3FB9];
	_ =	sdelay $0x3  }
0x33: {  	p0 =	seq.s32 s10, $0x1;
	s10 =	sld [smem:$0x3FBB];
	_ =	sdelay $0x3  }
0x34: {  	[smem:$0x3FBB] =	sst s10  }
0x35: {  	s10 =	sld [smem:$0x3FBA];
	_ =	sdelay $0x3  }
0x36: {  	p1 =	seq.s32 s10, $0x1;
	s10 =	sld [smem:$0x3FBB];
	_ =	sdelay $0x3  }
0x37: {  	[smem:$0x3FBB] =	sst s10  }
0x38: {  	s10 =	sld [smem:$0x3FBC]  }
0x39: {  	_ = 	snop;
	(pc) =	sbr.ind lr, $3  }
0x3a: {  	_ = 	snop  }
0x3b: {  	_ = 	snop  }
0x3c: {  	p2 =	seq.s32 s10, $0x1;
	s10 =	sld [smem:$0x3FBB]  }
0x3d: {  	_ =	shalt  }
0x3e: {  	_ =	shalt  }
0x3f: {  	_ =	shalt  }
0x40: {  	_ =	shalt  }
0x41: {  	_ =	shalt  }
0x42: {  	_ =	shalt  }
0x43: {  	_ =	shalt  }
0x44: {  	_ =	shalt  }
0x45: {  	_ =	shalt  }
0x46: {  	_ =	shalt  }
0x47: {  	_ =	shalt  }
0x48: {  	_ =	shalt  }
0x49: {  	_ =	shalt  }
0x4a: {  	_ =	shalt  }
0x4b: {  	_ =	shalt  }
0x4c: {  	_ =	shalt  }
0x4d: {  	_ =	shalt  }
0x4e: {  	_ =	shalt  }
0x4f: {  	_ =	shalt  }
0x50: {  	_ =	shalt  }
0x51: {  	_ =	shalt  }
0x52: {  	_ =	shalt  }
0x53: {  	_ =	shalt  }
0x54: {  	_ =	shalt  }
0x55: {  	_ =	shalt  }
0x56: {  	_ =	shalt  }
0x57: {  	_ =	shalt  }
0x58: {  	_ =	shalt  }
0x59: {  	_ =	shalt  }
0x5a: {  	_ =	shalt  }
0x5b: {  	_ =	shalt  }
0x5c: {  	_ =	shalt  }
0x5d: {  	_ =	shalt  }
0x5e: {  	_ =	shalt  }
0x5f: {  	_ =	shalt  }
0x60: {  	_ =	shalt  }
0x61: {  	_ =	shalt  }
0x62: {  	_ =	shalt  }
0x63: {  	_ =	shalt  }
0x64: {  	_ =	shalt  }
0x65: {  	_ =	shalt  }
0x66: {  	_ =	shalt  }
0x67: {  	_ =	shalt  }
0x68: {  	_ =	shalt  }
0x69: {  	_ =	shalt  }
0x6a: {  	_ =	shalt  }
0x6b: {  	_ =	shalt  }
0x6c: {  	_ =	shalt  }
0x6d: {  	_ =	shalt  }
0x6e: {  	_ =	shalt  }
0x6f: {  	_ =	shalt  }
0x70: {  	_ =	shalt  }
0x71: {  	_ =	shalt  }
0x72: {  	_ =	shalt  }
0x73: {  	_ =	shalt  }
0x74: {  	_ =	shalt  }
0x75: {  	_ =	shalt  }
0x76: {  	_ =	shalt  }
0x77: {  	_ =	shalt  }
0x78: {  	_ =	shalt  }
0x79: {  	_ =	shalt  }
0x7a: {  	_ =	shalt  }
0x7b: {  	_ =	shalt  }
0x7c: {  	_ =	shalt  }
0x7d: {  	_ =	shalt  }
0x7e: {  	_ =	shalt  }
0x7f: {  	_ =	shalt  }
0x80: {  	_ =	shalt  }
0x81: {  	_ =	shalt  }
0x82: {  	_ =	shalt  }
0x83: {  	_ =	shalt  }
0x84: {  	_ =	shalt  }
0x85: {  	_ =	shalt  }
0x86: {  	_ =	shalt  }
0x87: {  	_ =	shalt  }
.Lfunc_end0:
.L_simem_size_0:
called_computation_lowered:
.L_overlay_start_0:
0x88: {  	s1 =	sld [smem:$0x3FD9]  }
0x89: {  	s3 =	sld [smem:$0x3FFE];
	_ =	sdelay $0x1  }
0x8a: {  	s2 =	srdreg.scid  }
0x8b: {  	s0 =	sand.u32 $0x1, s2  }
0x8c: {  	s17 =	sshll.u32 s0, $0xA;
	s1 =	sadd.s32 s3, s1  }
0x8d: {  	s1 =	sadd.s32 s1, s17  }
0x8e: {  	[smem:$0x3FC7] =	sst s1  }
0x8f: {  	_ = 	snop  }
0x90: {  	s1 =	simm.s32 $0x0;
	s4 =	sld [smem:$0x3FC9]  }
0x91: {  	[smem:$0xF] =	sst s1  }
0x92: {  	s3 =	sld [smem:$0x3FD0];
	(tm) =	ssettm $0x1  }
0x93: {  	s5 =	sld [smem:$0x3FFB];
	_ =	sdelay $0x3  }
0x94: {  	_ =	strace s5  }
0x95: {  	s5 =	sld [smem:$0x3FFC];
	_ =	sdelay $0x3  }
0x96: {  	_ =	strace s5  }
0x97: {  	s5 =	sld [smem:$0x3FFD];
	_ =	sdelay $0x3  }
0x98: {  	_ =	strace s5  }
0x99: {  	_ =	strace $0x8FFFFFFF  }
0x9a: {  	s18 =	sld [smem:$0x3FDB];
	_ =	sdelay $0x2  }
0x9b: {  	s6 =	simm.s32 $_scs_section_size;
	s7 =	simm.s32 $_tile_overlayer_lowered  }
0x9c: {  	s19 =	simm.s32 $_size__tile_overlayer_lowered;
	s7 =	sshll.u32 s7, $0x1;
	s5 =	sadd.s32 s6, s18  }
0x9d: {  	s8 =	simm.s32 $0x1BFF;
	s6 =	sshll.u32 s19, $0x1;
	s7 =	sadd.s32 s7, s5  }
0x9e: {  	[timem:s1], [sflag:s8] =	dma.local [hbm:s7], s6  }
0x9f: {  	_ =	swait.ge [sflag:s8], s6  }
0xa0: {  	s6 =	ssub.s32 $0x0, s6;
	[sflag:s8] =	ssyncset.done $0x0  }
0xa1: {  	[sflag:s8] =	ssyncadd.s32 s6;
	_ =	sdelay $0x1  }
0xa2: {  	s20 =	simm.s32 $0x1B8B  }
0xa3: {  	_ =	swait.ge [sflag:s20], $0x1  }
0xa4: {  	[sflag:s20] =	ssyncset.done $0x0  }
0xa5: {  	s21 =	simm.s32 $0x1B8E;
	[sflag:s20] =	ssyncadd.s32 $0xFFFFFFFF  }
0xa6: {  	s22 =	simm.s32 $execute0_lowered;
	[smem:$0x3FD2] =	sst s21  }
0xa7: {  	s6 =	sshll.u32 s22, $0x1;
	_ =	strace $0x80000046;
	[dreg:$0x1] =	wrdreg $0xFFFFFFFF  }
0xa8: {  	s23 =	simm.s32 $_size_execute0_lowered;
	s5 =	sadd.s32 s5, s6;
	[dreg:$0x0] =	wrdreg $0x0  }
0xa9: {  	s6 =	sshll.u32 s23, $0x1;
	[dreg:$0x2] =	wrdreg s5  }
0xaa: {  	[dreg:$0x3] =	wrdreg s6  }
0xab: {  	[dreg:$0x4] =	wrdreg $0xC0  }
0xac: {  	_ =	task [dreg:s1], $0x5FFFF  }
0xad: {  	[dreg:$0x1] =	wrdreg $0xFFFFFFFF  }
0xae: {  	s26 =	simm.s32 $0xA;
	[dreg:$0x0] =	wrdreg $0x60  }
0xaf: {  	s9 =	simm.s32 $0x30000;
	s12 =	simm.s32 $0xB;
	[dreg:$0x2] =	wrdreg s4  }
0xb0: {  	s7 =	simm.s32 $0x34000;
	s6 =	sshll.u32 s0, $0x12;
	[dreg:$0x3] =	wrdreg s3  }
0xb1: {  	s24 =	sor.u32 $0x24000, s6;
	s10 =	sor.u32 $0x28000, s6;
	[dreg:$0x4] =	wrdreg $0x9  }
0xb2: {  	s25 =	sadd.s32 s24, s4;
	s11 =	sadd.s32 s10, s4;
	_ =	task.clear_ibuf [dreg:s1], $0x5FFFF  }
0xb3: {  	[spmem:s9], [sflag:s26] =	dma.local [hbm:s25], $0x4000  }
0xb4: {  	[spmem:s7], [sflag:s12] =	dma.local [hbm:s11], $0x4000  }
0xb5: {  	s29 =	simm.s32 $0xE;
	s14 =	simm.s32 $0xC;
	_ =	swait.ge [sflag:s26], $0x4000  }
0xb6: {  	s15 =	simm.s32 $0x38000;
	s30 =	sor.u32 $0x2C000, s6;
	[sflag:s26] =	ssyncset.done $0x0  }
0xb7: {  	s28 =	sadd.s32 s24, s3;
	s13 =	sadd.s32 s30, s4;
	[sflag:s26] =	ssyncadd.s32 $0xFFFFC000  }
0xb8: {  	[hbm:s28], [sflag:s29] =	dma.local [spmem:s9], $0x4000  }
0xb9: {  	[spmem:s15], [sflag:s14] =	dma.local [hbm:s13], $0x4000  }
0xba: {  	s31 =	simm.s32 $0xF;
	s17 =	simm.s32 $0xD;
	_ =	swait.ge [sflag:s12], $0x4000  }
0xbb: {  	s18 =	simm.s32 $0x3C000;
	s20 =	sor.u32 $0x30000, s6;
	[sflag:s12] =	ssyncset.done $0x0  }
0xbc: {  	s10 =	sadd.s32 s10, s3;
	s16 =	sadd.s32 s20, s4;
	[sflag:s12] =	ssyncadd.s32 $0xFFFFC000  }
0xbd: {  	[hbm:s10], [sflag:s31] =	dma.local [spmem:s7], $0x4000  }
0xbe: {  	[spmem:s18], [sflag:s17] =	dma.local [hbm:s16], $0x4000  }
0xbf: {  	_ =	swait.ge [sflag:s14], $0x4000  }
0xc0: {  	[sflag:s14] =	ssyncset.done $0x0  }
0xc1: {  	[sflag:s14] =	ssyncadd.s32 $0xFFFFC000  }
0xc2: {  	s21 =	simm.s32 $0x10;
	s11 =	sadd.s32 s30, s3  }
0xc3: {  	[hbm:s11], [sflag:s21] =	dma.local [spmem:s15], $0x4000  }
0xc4: {  	_ =	swait.ge [sflag:s29], $0x4000  }
0xc5: {  	[sflag:s29] =	ssyncset.done $0x0  }
0xc6: {  	s22 =	sor.u32 $0x34000, s6;
	[sflag:s29] =	ssyncadd.s32 $0xFFFFC000  }
0xc7: {  	s19 =	sadd.s32 s22, s4  }
0xc8: {  	[spmem:s9], [sflag:s26] =	dma.local [hbm:s19], $0x4000  }
0xc9: {  	_ =	swait.ge [sflag:s17], $0x4000  }
0xca: {  	[sflag:s17] =	ssyncset.done $0x0  }
0xcb: {  	[sflag:s17] =	ssyncadd.s32 $0xFFFFC000  }
0xcc: {  	s23 =	simm.s32 $0x11;
	s10 =	sadd.s32 s20, s3  }
0xcd: {  	[hbm:s10], [sflag:s23] =	dma.local [spmem:s18], $0x4000  }
0xce: {  	_ =	swait.ge [sflag:s31], $0x4000  }
0xcf: {  	[sflag:s31] =	ssyncset.done $0x0  }
0xd0: {  	s24 =	sor.u32 $0x38000, s6;
	[sflag:s31] =	ssyncadd.s32 $0xFFFFC000  }
0xd1: {  	s25 =	sadd.s32 s24, s4  }
0xd2: {  	[spmem:s7], [sflag:s12] =	dma.local [hbm:s25], $0x4000  }
0xd3: {  	_ =	swait.ge [sflag:s26], $0x4000  }
0xd4: {  	[sflag:s26] =	ssyncset.done $0x0  }
0xd5: {  	[sflag:s26] =	ssyncadd.s32 $0xFFFFC000  }
0xd6: {  	s26 =	sadd.s32 s22, s3  }
0xd7: {  	[hbm:s26], [sflag:s29] =	dma.local [spmem:s9], $0x4000  }
0xd8: {  	_ =	swait.ge [sflag:s21], $0x4000  }
0xd9: {  	[sflag:s21] =	ssyncset.done $0x0  }
0xda: {  	s6 =	sor.u32 $0x3C000, s6;
	[sflag:s21] =	ssyncadd.s32 $0xFFFFC000  }
0xdb: {  	s4 =	sadd.s32 s6, s4  }
0xdc: {  	[spmem:s15], [sflag:s14] =	dma.local [hbm:s4], $0x4000  }
0xdd: {  	_ =	swait.ge [sflag:s12], $0x4000  }
0xde: {  	[sflag:s12] =	ssyncset.done $0x0  }
0xdf: {  	[sflag:s12] =	ssyncadd.s32 $0xFFFFC000  }
0xe0: {  	s28 =	sadd.s32 s24, s3  }
0xe1: {  	[hbm:s28], [sflag:s31] =	dma.local [spmem:s7], $0x4000  }
0xe2: {  	_ =	swait.ge [sflag:s14], $0x4000  }
0xe3: {  	[sflag:s14] =	ssyncset.done $0x0  }
0xe4: {  	[sflag:s14] =	ssyncadd.s32 $0xFFFFC000  }
0xe5: {  	s3 =	sadd.s32 s6, s3  }
0xe6: {  	[hbm:s3], [sflag:s21] =	dma.local [spmem:s15], $0x4000  }
0xe7: {  	_ =	swait.ge [sflag:s23], $0x4000  }
0xe8: {  	[sflag:s23] =	ssyncset.done $0x0  }
0xe9: {  	[sflag:s23] =	ssyncadd.s32 $0xFFFFC000;
	_ =	sdelay $0x2  }
0xea: {  	_ =	swait.ge [sflag:s29], $0x4000  }
0xeb: {  	[sflag:s29] =	ssyncset.done $0x0  }
0xec: {  	[sflag:s29] =	ssyncadd.s32 $0xFFFFC000;
	_ =	sdelay $0x2  }
0xed: {  	_ =	swait.ge [sflag:s31], $0x4000  }
0xee: {  	[sflag:s31] =	ssyncset.done $0x0  }
0xef: {  	[sflag:s31] =	ssyncadd.s32 $0xFFFFC000;
	_ =	sdelay $0x2  }
0xf0: {  	_ =	swait.ge [sflag:s21], $0x4000  }
0xf1: {  	[sflag:s21] =	ssyncset.done $0x0  }
0xf2: {  	[sflag:s21] =	ssyncadd.s32 $0xFFFFC000  }
0xf3: {  	_ =	strace $0x90000046  }
0xf4: {  	s29 =	simm.s32 $0x9;
	_ =	strace $0x80000048  }
0xf5: {  	_ =	swait.ge [sflag:s29], $0x1  }
0xf6: {  	[sflag:s29] =	ssyncadd.s32 $0xFFFFFFFF  }
0xf7: {  	_ =	strace $0x90000048  }
0xf8: {  	_ =	sfence  }
0xf9: {  	s30 =	sld [smem:$0x0];
	_ =	sdelay $0x2  }
0xfa: {  	s31 =	sshll.u32 s2, $0xD;
	s2 =	sshrl.u32 s2, $0x2  }
0xfb: {  	s4 =	sand.u32 $0x4000, s31;
	s2 =	sadd.s32 s2, s30  }
0xfc: {  	s0 =	sor.u32 s4, s0;
	s2 =	sshll.u32 s2, $0x11  }
0xfd: {  	s0 =	sor.u32 s2, s0  }
0xfe: {  	s0 =	sadd.s32 $0x8F2B, s0  }
0xff: {  	[sflag:s0] =	ssyncadd.remote.s32 $0x1  }
0x100: {  	_ =	sfence.sel $0xFFFF  }
0x101: {  	[dreg:$0x0] =	wrdreg $0xFFFFFFFF;
	(pc) =	sbr.abs _section_cstart, $3  }
0x102: {  	[dreg:$0x1] =	wrdreg $0xFFFFFFFF  }
0x103: {  	_ =	task.clear_ibuf [dreg:s1], $0x2FFFF;
	_ =	strace $0x9FFFFFFF  }
0x104: {  	(tm) =	ssettm $0x7FFFFFFF  }
0x105: {  	_ =	shalt  }
tec
execute0_lowered:
.L_overlay_start_1:
0x0: {  	(tag) =	ssettag $0x1  }
0x1: {  	s8 =	rddreg [dreg:$0x0]  }
0x2: {  	s1 =	srdreg.scid;
	s0 =	stileid.u32  }
0x3: {  	s13 =	rddreg [dreg:$0x1];
	s15 =	sand.u32 $0x1, s1;
	s3 =	smul.u32 $0x2400, s0  }
0x4: {  	s2 =	simm.s32 $0x0;
	s1 =	rddreg [dreg:$0x2];
	s4 =	sshll.u32 s15, $0x12  }
0x5: {  	[smem:$0x7FF] =	sst s2;
	s9 =	sor.u32 s3, s4  }
0x6: {  	_ =	strace $0x80000047;
	s3 =	sadd.s32 s8, s9;
	s11 =	sadd.s32 $0x400, s9  }
0x7: {  	[tilespmem:s2], [sflag:$0x1] =	stream.linear.gather [hbm4b:s3+s2], $0x2000, $0x38;
	v63 =	vld [tilespmem:$0x0]  }
0x8: {  	s5 =	simm.s32 $0x8000;
	s6 =	simm.s32 $0x1;
	s4 =	sadd.s32 s8, s11  }
0x9: {  	[tilespmem:s5], [sflag:$0x2] =	stream.linear.gather [hbm4b:s4+s2], $0x8000, $0x38;
	v63 =	vld [tilespmem:$0x0]  }
0xa: {  	_ =	swait.ge [sflag:s6], $0x2000  }
0xb: {  	[sflag:s6] =	ssyncset.done $0x0  }
0xc: {  	s7 =	sadd.s32 s13, s9;
	s14 =	sadd.s32 $0x1400, s9;
	[sflag:s6] =	ssyncadd.s32 $0xFFFFE000  }
0xd: {  	[hbm4b:s7+s2] =	stream.linear.scatter [tilespmem:s2], [sflag:$0x4], $0x2000, $0x38;
	v63 =	vld [tilespmem:$0x0]  }
0xe: {  	s10 =	simm.s32 $0x2;
	s9 =	simm.s32 $0x10000;
	s8 =	sadd.s32 s8, s14  }
0xf: {  	[tilespmem:s9], [sflag:$0x3] =	stream.linear.gather [hbm4b:s8+s2], $0x8000, $0x38;
	v63 =	vld [tilespmem:$0x0]  }
0x10: {  	_ =	swait.ge [sflag:s10], $0x8000  }
0x11: {  	[sflag:s10] =	ssyncset.done $0x0  }
0x12: {  	s12 =	simm.s32 $0x3;
	s11 =	sadd.s32 s13, s11;
	[sflag:s10] =	ssyncadd.s32 $0xFFFF8000  }
0x13: {  	[hbm4b:s11+s2] =	stream.linear.scatter [tilespmem:s5], [sflag:$0x5], $0x8000, $0x38;
	v63 =	vld [tilespmem:$0x0]  }
0x14: {  	s16 =	ssub.s32 $0x2, s15;
	_ =	swait.ge [sflag:s12], $0x8000  }
0x15: {  	s17 =	sshrl.u32 s16, $0x1;
	[sflag:s12] =	ssyncset.done $0x0  }
0x16: {  	s13 =	sadd.s32 s13, s14;
	s14 =	simm.s32 $0x4;
	[sflag:s12] =	ssyncadd.s32 $0xFFFF8000  }
0x17: {  	[hbm4b:s13+s2] =	stream.linear.scatter [tilespmem:s9], [sflag:$0x6], $0x8000, $0x38;
	v63 =	vld [tilespmem:$0x0]  }
0x18: {  	s16 =	ssub.s32 s16, s17;
	_ =	swait.ge [sflag:s14], $0x2000  }
0x19: {  	s17 =	smax.u32 s16, $0x1;
	[sflag:s14] =	ssyncset.done $0x0  }
0x1a: {  	s15 =	simm.s32 $0x5;
	p0 =	sne.s32 s17, $0x1;
	[sflag:s14] =	ssyncadd.s32 $0xFFFFE000  }
.Ltmp0:
0x1b: {  	_ =	swait.ge [sflag:s15], $0x8000;
	(pc) =	sbr.rel @!p0 .LBB2_2-.Ltmp0, $4  }
0x1c: {  	[sflag:s15] =	ssyncset.done $0x0  }
0x1d: {  	s16 =	simm.s32 $0x6;
	[sflag:s15] =	ssyncadd.s32 $0xFFFF8000  }
0x1e: {  	_ =	swait.ge [sflag:s16], $0x8000  }
0x1f: {  	s17 =	sadd.s32 $0xFFFFFFFF, s17;
	[sflag:s16] =	ssyncset.done $0x0  }
.LBB2_1:
0x20: {  	p0 =	sne.s32 s17, $0x1;
	s17 =	sadd.s32 $0xFFFFFFFF, s17;
	[sflag:s16] =	ssyncadd.s32 $0xFFFF8000  }
0x21: {  	[tilespmem:s2], [sflag:$0x1] =	stream.linear.gather [hbm4b:s3+s2], $0x2000, $0x38;
	v63 =	vld [tilespmem:$0x0]  }
0x22: {  	_ = 	snop  }
0x23: {  	[tilespmem:s5], [sflag:$0x2] =	stream.linear.gather [hbm4b:s4+s2], $0x8000, $0x38;
	v63 =	vld [tilespmem:$0x0]  }
0x24: {  	_ =	swait.ge [sflag:s6], $0x2000  }
0x25: {  	[sflag:s6] =	ssyncset.done $0x0  }
0x26: {  	[sflag:s6] =	ssyncadd.s32 $0xFFFFE000  }
0x27: {  	[hbm4b:s7+s2] =	stream.linear.scatter [tilespmem:s2], [sflag:$0x4], $0x2000, $0x38;
	v63 =	vld [tilespmem:$0x0]  }
0x28: {  	_ = 	snop  }
0x29: {  	[tilespmem:s9], [sflag:$0x3] =	stream.linear.gather [hbm4b:s8+s2], $0x8000, $0x38;
	v63 =	vld [tilespmem:$0x0]  }
0x2a: {  	_ =	swait.ge [sflag:s10], $0x8000  }
0x2b: {  	[sflag:s10] =	ssyncset.done $0x0  }
0x2c: {  	[sflag:s10] =	ssyncadd.s32 $0xFFFF8000  }
0x2d: {  	[hbm4b:s11+s2] =	stream.linear.scatter [tilespmem:s5], [sflag:$0x5], $0x8000, $0x38;
	v63 =	vld [tilespmem:$0x0]  }
0x2e: {  	_ =	swait.ge [sflag:s12], $0x8000  }
0x2f: {  	[sflag:s12] =	ssyncset.done $0x0  }
0x30: {  	[sflag:s12] =	ssyncadd.s32 $0xFFFF8000  }
0x31: {  	[hbm4b:s13+s2] =	stream.linear.scatter [tilespmem:s9], [sflag:$0x6], $0x8000, $0x38;
	v63 =	vld [tilespmem:$0x0]  }
0x32: {  	_ =	swait.ge [sflag:s14], $0x2000  }
0x33: {  	[sflag:s14] =	ssyncset.done $0x0  }
0x34: {  	[sflag:s14] =	ssyncadd.s32 $0xFFFFE000  }
.Ltmp1:
0x35: {  	_ =	swait.ge [sflag:s15], $0x8000;
	(pc) =	sbr.rel @p0 .LBB2_1-.Ltmp1, $4  }
0x36: {  	[sflag:s15] =	ssyncset.done $0x0  }
0x37: {  	[sflag:s15] =	ssyncadd.s32 $0xFFFF8000  }
0x38: {  	_ =	swait.ge [sflag:s16], $0x8000  }
0x39: {  	[sflag:s16] =	ssyncset.done $0x0  }
.LBB2_2:
0x3a: {  	[sflag:s16] =	ssyncadd.s32 $0xFFFF8000  }
0x3b: {  	_ =	sfence.sel $0x180000  }
0x3c: {  	[bflag:$0x0] =	sbarrier.arrive $0xFFFF  }
0x3d: {  	p0 =	sne.s32 s0, $0x0;
	_ =	strace $0x90000047  }
0x3e: {  	s0 =	sadd.s32 @!p0 $0x100000, s1;
	[bflag:$0x2] =	sbarrier.arrive $0xFFFF  }
0x3f: {  	[sflag:s0] =	ssyncadd.tile.s32 @!p0 $0x1;
	_ =	shalt  }
.Lfunc_end2:
_tile_overlayer_lowered:
.L_overlay_start_2:
0x40: {  	(tag) =	ssettag $0x2  }
0x41: {  	s0 =	rddreg [dreg:$0x0];
	s2 =	stileid.u32  }
0x42: {  	s1 =	rddreg [dreg:$0x1];
	p0 =	sne.s32 s2, $0x0  }
0x43: {  	s3 =	rddreg [dreg:$0x2];
	[bflag:$0x3] =	sbarrier.arrive $0xFFFF;
	s2 =	simm.s32 @!p0 $0x1C07  }
0x44: {  	[timem:s3], [sflag:s2] =	dma.local @!p0 [hbm:s0], s1  }
0x45: {  	s0 =	simm.s32 @!p0 $0x7  }
0x46: {  	_ =	swait.ge @!p0 [sflag:s0], s1  }
0x47: {  	s1 =	ssub.s32 @!p0 $0x0, s1;
	[sflag:s0] =	ssyncset.done @!p0 $0x0  }
0x48: {  	[sflag:s0] =	ssyncadd.s32 @!p0 s1  }
0x49: {  	[bflag:$0x3] =	sbarrier.arrive $0xFFFF  }
0x4a: {  	_ =	shalt  }

</sc_bundles>
